<compile_context>
chip_gen: v7x
topology: tpu7x:2x2x1
jax: 0.10.2.dev20260603
libtpu: 0.0.44.dev20260713+nightly
codegen_flags: <defaults>
</compile_context>

<pallas_src>
import functools

import jax
import jax.numpy as jnp
from jax import lax
from jax.experimental import pallas as pl
from jax.experimental.pallas import tpu as pltpu
from jax.experimental.pallas import tpu_sc as plsc

N_CODES = 8
BLK = 512
L = 16


def _dists_body(r_ref, a2_ref, cbT_ref, b2_ref, out_ref):
    r = r_ref[...]
    cbT = cbT_ref[...]
    dots = jnp.dot(r, cbT, preferred_element_type=jnp.float32)
    t = a2_ref[...] + b2_ref[...]
    out_ref[...] = t - 2.0 * dots


def _sc_body(dists_hbm, cand_hbm, buf, outb, rows_per_w, ch):
    wid = lax.axis_index("s") * 2 + lax.axis_index("c")
    K = 1024
    nv = K // L
    lane = lax.iota(jnp.int32, L)
    inf = jnp.full((L,), jnp.inf, jnp.float32)

    def chunk_body(cidx, _):
        base = wid * rows_per_w + cidx * ch
        pltpu.sync_copy(dists_hbm.at[pl.ds(base, ch), :], buf)

        def row_body(r, _):
            outvec = jnp.zeros((L,), jnp.int32)

            def pass_body(j, outvec):

                def scan_body(v, st):
                    best, bpos = st
                    x = buf[r, pl.ds(v * L, L)]
                    cmp = x < best
                    best = jnp.minimum(x, best)
                    bpos = jnp.where(cmp, jnp.full((L,), v, jnp.int32), bpos)
                    return best, bpos

                best, bpos = lax.fori_loop(
                    0, nv, scan_body,
                    (inf, jnp.zeros((L,), jnp.int32)), unroll=8)
                flat = bpos * L + lane
                sk, _ = plsc.sort_key_val(best, flat)
                m = sk[0]
                m_vec = jnp.full((L,), m)
                candf = jnp.where(best == m_vec, flat, jnp.int32(1 << 30))
                ci, _ = plsc.sort_key_val(candf, candf)
                i0 = ci[0]
                outvec = jnp.where(lane == j, jnp.full((L,), i0), outvec)
                mlane = jnp.where(j == 0, N_CODES, 1 << 20)
                outvec = jnp.where(lane == mlane,
                                   lax.bitcast_convert_type(m_vec, jnp.int32),
                                   outvec)
                v0 = i0 // L
                l0 = i0 - v0 * L
                xv = buf[r, pl.ds(v0 * L, L)]
                buf[r, pl.ds(v0 * L, L)] = jnp.where(lane == l0, jnp.inf, xv)
                return outvec

            outvec = lax.fori_loop(0, N_CODES, pass_body, outvec)
            outb[r] = outvec
            return 0

        lax.fori_loop(0, ch, row_body, 0)
        pltpu.sync_copy(outb, cand_hbm.at[pl.ds(base, ch), :])
        return 0

    lax.fori_loop(0, rows_per_w // ch, chunk_body, 0)


def kernel(xhat_BD, xtarget_BD, codebook_KD):
    B, d = xhat_BD.shape
    K = codebook_KD.shape[0]
    r_BD = xtarget_BD - xhat_BD
    a2_B1 = jnp.sum(r_BD * r_BD, axis=1, keepdims=True)
    b2_K = jnp.sum(codebook_KD * codebook_KD, axis=1)[None, :]
    cbT_DK = codebook_KD.T

    dists_BK = pl.pallas_call(
        _dists_body,
        grid=(B // BLK,),
        in_specs=[
            pl.BlockSpec((BLK, d), lambda i: (i, 0)),
            pl.BlockSpec((BLK, 1), lambda i: (i, 0)),
            pl.BlockSpec((d, K), lambda i: (0, 0)),
            pl.BlockSpec((1, K), lambda i: (0, 0)),
        ],
        out_specs=pl.BlockSpec((BLK, K), lambda i: (i, 0)),
        out_shape=jax.ShapeDtypeStruct((B, K), jnp.float32),
    )(r_BD, a2_B1, cbT_DK, b2_K)

    n_workers = 32
    rows_per_w = B // n_workers
    ch = 16
    mesh = plsc.VectorSubcoreMesh(core_axis_name="c", subcore_axis_name="s")
    cand16 = pl.kernel(
        functools.partial(_sc_body, rows_per_w=rows_per_w, ch=ch),
        out_type=jax.ShapeDtypeStruct((B, L), jnp.int32),
        mesh=mesh,
        compiler_params=pltpu.CompilerParams(needs_layout_passes=False),
        scratch_types=[
            pltpu.VMEM((ch, K), jnp.float32),
            pltpu.VMEM((ch, L), jnp.int32),
        ],
    )(dists_BK)

    rowmin = lax.bitcast_convert_type(cand16[:, N_CODES], jnp.float32)
    loss = (jnp.sum(rowmin) / (B * d)).astype(jnp.float32)
    return cand16[:, :N_CODES], loss

# --- scband reference (transcript-rebuilt; emitter-appended) ---
"""Pipeline reference for scband-qinco-substep-36215164240449 (READ-ONLY COPY).

The authoritative reference and input builder live on the scoring server;
editing this copy changes nothing except your own understanding.
"""

import jax, jax.numpy as jnp
import numpy as np

N_CODES = 8  # cfg.A; i_step=2 so no max(cfg.B, A) branch

def setup_inputs(seed: int = 0) -> dict:
    key = jax.random.key(seed)
    k1, k2, k3 = jax.random.split(key, 3)
    B, d, K = 16384, 256, 1024
    xhat_BD = jax.random.normal(k1, (B, d), dtype=jnp.float32)
    xtarget_BD = jax.random.normal(k2, (B, d), dtype=jnp.float32)
    codebook_KD = jax.random.normal(k3, (K, d), dtype=jnp.float32) * 0.02
    return {"xhat_BD": xhat_BD, "xtarget_BD": xtarget_BD, "codebook_KD": codebook_KD}

def pairwise_distances(a_BD, b_KD):
    # squared L2 pairwise distances
    a2 = jnp.sum(a_BD * a_BD, axis=1, keepdims=True)
    b2 = jnp.sum(b_KD * b_KD, axis=1)[None, :]
    return a2 + b2 - 2.0 * (a_BD @ b_KD.T)

def reference(xhat_BD, xtarget_BD, codebook_KD):
    # get_distances_for_codes: residual target vs codewords (detached in torch)
    xtarget_remain_BD = jax.lax.stop_gradient(xtarget_BD) - jax.lax.stop_gradient(xhat_BD)
    dists_BK = pairwise_distances(xtarget_remain_BD, codebook_KD)
    # select_code_candidates: topk smallest distances
    _, cand_BA = jax.lax.top_k(-dists_BK, N_CODES)
    # get_loss with best (top-1) code, last_x = xtarget
    codes_B = cand_BA[:, 0]
    xhat_out_BD = xhat_BD + jnp.take(codebook_KD, codes_B, axis=0)
    loss = jnp.mean((xhat_out_BD - xtarget_BD) ** 2)
    return cand_BA, loss

if __name__ == "__main__":
    import jax
    _d = setup_inputs()
    print(jax.jit(kernel)(*tuple(_d.values())))

</pallas_src>

<mosaic_0001>
#map = affine_map<(d0, d1) -> (0, 0)>
module attributes {stable_mosaic.version = 14 : i64} {
  func.func @_sc_body(%arg0: i32, %arg1: i32, %arg2: memref<16384x1024xf32, #tpu.memory_space<hbm>>, %arg3: memref<16384x16xi32, #tpu.memory_space<hbm>>, %arg4: memref<16x1024xf32, #tpu.memory_space<vmem>>, %arg5: memref<16x16xi32, #tpu.memory_space<vmem>>) attributes {dimension_semantics = [#tpu.dimension_semantics<core_parallel>, #tpu.dimension_semantics<subcore_parallel>], iteration_bounds = array<i64: 2, 16>, scalar_prefetch = 0 : i64, scratch_operands = 2 : i64, tpu.core_type = #tpu.core_type<sc_vector_subcore>, window_params = [{transform_indices = #map}, {transform_indices = #map}]} {
    %mul3A = arith.constant 2 : i32
    %mul3A_0 = arith.muli %arg1, %mul3A : i32
    %add3A = arith.addi %mul3A_0, %arg0 : i32
    %iota3A = tpu.iota {dimensions = array<i32: 0>} : vector<16xi32>
    %broadcast_in_dim3A = arith.constant 0x7F800000 : f32
    %broadcast_in_dim3A_1 = vector.broadcast %broadcast_in_dim3A : f32 to vector<16xf32>
    %scan3A = arith.constant 0 : i32
    %scan3A_2 = arith.constant 0 : i32
    %scan3A_3 = arith.constant 32 : i32
    %scan3A_4 = arith.addi %scan3A_2, %scan3A_3 : i32
    %scan3A_5 = arith.constant 1 : i32
    %scan3A_6 = scf.for %scan3A_8 = %scan3A_2 to %scan3A_4 step %scan3A_5 iter_args(%scan3A_9 = %scan3A) -> (i32)  : i32 {
      %mul3A_10 = arith.constant 512 : i32
      %mul3A_11 = arith.muli %add3A, %mul3A_10 : i32
      %mul3A_12 = arith.constant 16 : i32
      %mul3A_13 = arith.muli %scan3A_8, %mul3A_12 : i32
      %add3A_14 = arith.addi %mul3A_11, %mul3A_13 : i32
      "tpu.region"() ({
        %run_scoped3A = tpu.sem_alloc : memref<!tpu.dma_semaphore, #tpu.memory_space<semaphore_mem>>
        %dma_start3A = arith.constant 0 : i32
        %dma_start3A_23 = tpu.memref_slice %arg2[%add3A_14, %dma_start3A] : memref<16384x1024xf32, #tpu.memory_space<hbm>> -> memref<16x1024xf32, #tpu.memory_space<hbm>>
        %dma_start3A_24 = arith.constant 0 : i32
        %dma_start3A_25 = tpu.memref_slice %arg2[%add3A_14, %dma_start3A_24] : memref<16384x1024xf32, #tpu.memory_space<hbm>> -> memref<16x1024xf32, #tpu.memory_space<hbm>>
        tpu.enqueue_dma source(%dma_start3A_25 : memref<16x1024xf32, #tpu.memory_space<hbm>>) target(%arg4 : memref<16x1024xf32, #tpu.memory_space<vmem>>) target_semaphore(%run_scoped3A : memref<!tpu.dma_semaphore, #tpu.memory_space<semaphore_mem>>)
        %dma_wait3A = arith.constant 0 : i32
        %dma_wait3A_26 = tpu.memref_slice %arg2[%add3A_14, %dma_wait3A] : memref<16384x1024xf32, #tpu.memory_space<hbm>> -> memref<16x1024xf32, #tpu.memory_space<hbm>>
        %dma_wait3A_27 = arith.constant 0 : i32
        %dma_wait3A_28 = tpu.memref_slice %arg2[%add3A_14, %dma_wait3A_27] : memref<16384x1024xf32, #tpu.memory_space<hbm>> -> memref<16x1024xf32, #tpu.memory_space<hbm>>
        tpu.wait_dma2 semaphore(%run_scoped3A : memref<!tpu.dma_semaphore, #tpu.memory_space<semaphore_mem>>) src(%dma_wait3A_28 : memref<16x1024xf32, #tpu.memory_space<hbm>>) dst(%arg4 : memref<16x1024xf32, #tpu.memory_space<vmem>>)
        tpu.yield
      }) : () -> ()
      %scan3A_15 = arith.constant 0 : i32
      %scan3A_16 = arith.constant 0 : i32
      %scan3A_17 = arith.constant 16 : i32
      %scan3A_18 = arith.addi %scan3A_16, %scan3A_17 : i32
      %scan3A_19 = arith.constant 1 : i32
      %scan3A_20 = scf.for %scan3A_23 = %scan3A_16 to %scan3A_18 step %scan3A_19 iter_args(%scan3A_24 = %scan3A_15) -> (i32)  : i32 {
        %broadcast_in_dim3A_25 = arith.constant 0 : i32
        %broadcast_in_dim3A_26 = vector.broadcast %broadcast_in_dim3A_25 : i32 to vector<16xi32>
        %scan3A_27 = arith.constant 0 : i32
        %scan3A_28 = arith.constant 8 : i32
        %scan3A_29 = arith.addi %scan3A_27, %scan3A_28 : i32
        %scan3A_30 = arith.constant 1 : i32
        %scan3A_31 = scf.for %scan3A_36 = %scan3A_27 to %scan3A_29 step %scan3A_30 iter_args(%scan3A_37 = %broadcast_in_dim3A_26) -> (vector<16xi32>)  : i32 {
          %broadcast_in_dim3A_38 = arith.constant 0 : i32
          %broadcast_in_dim3A_39 = vector.broadcast %broadcast_in_dim3A_38 : i32 to vector<16xi32>
          %scan3A_40 = arith.constant 0 : i32
          %scan3A_41 = arith.constant 64 : i32
          %scan3A_42 = arith.addi %scan3A_40, %scan3A_41 : i32
          %scan3A_43 = arith.constant 8 : i32
          %scan3A_44:2 = scf.for %scan3A_112 = %scan3A_40 to %scan3A_42 step %scan3A_43 iter_args(%scan3A_113 = %broadcast_in_dim3A_1, %scan3A_114 = %broadcast_in_dim3A_39) -> (vector<16xf32>, vector<16xi32>)  : i32 {
            %mul3A_115 = arith.constant 16 : i32
            %mul3A_116 = arith.muli %scan3A_112, %mul3A_115 : i32
            %get3A_117 = arith.index_cast %scan3A_23 : i32 to index
            %get3A_118 = arith.index_cast %mul3A_116 : i32 to index
            %get3A_119 = tpu.vector_load %arg4[%get3A_117, %get3A_118] {strides = array<i32>} : memref<16x1024xf32, #tpu.memory_space<vmem>>, vector<16xf32>,
            %lt3A = arith.cmpf olt, %get3A_119, %scan3A_113 : vector<16xf32>
            %min3A = arith.minimumf %get3A_119, %scan3A_113 : vector<16xf32>
            %broadcast_in_dim3A_120 = vector.broadcast %scan3A_112 : i32 to vector<16xi32>
            %select_n3A_121 = arith.select %lt3A, %broadcast_in_dim3A_120, %scan3A_114 : vector<16xi1>, vector<16xi32>
            %scan3A_122 = arith.constant 1 : i32
            %scan3A_123 = arith.addi %scan3A_112, %scan3A_122 : i32
            %mul3A_124 = arith.constant 16 : i32
            %mul3A_125 = arith.muli %scan3A_123, %mul3A_124 : i32
            %get3A_126 = arith.index_cast %scan3A_23 : i32 to index
            %get3A_127 = arith.index_cast %mul3A_125 : i32 to index
            %get3A_128 = tpu.vector_load %arg4[%get3A_126, %get3A_127] {strides = array<i32>} : memref<16x1024xf32, #tpu.memory_space<vmem>>, vector<16xf32>,
            %lt3A_129 = arith.cmpf olt, %get3A_128, %min3A : vector<16xf32>
            %min3A_130 = arith.minimumf %get3A_128, %min3A : vector<16xf32>
            %broadcast_in_dim3A_131 = vector.broadcast %scan3A_123 : i32 to vector<16xi32>
            %select_n3A_132 = arith.select %lt3A_129, %broadcast_in_dim3A_131, %select_n3A_121 : vector<16xi1>, vector<16xi32>
            %scan3A_133 = arith.constant 2 : i32
            %scan3A_134 = arith.addi %scan3A_112, %scan3A_133 : i32
            %mul3A_135 = arith.constant 16 : i32
            %mul3A_136 = arith.muli %scan3A_134, %mul3A_135 : i32
            %get3A_137 = arith.index_cast %scan3A_23 : i32 to index
            %get3A_138 = arith.index_cast %mul3A_136 : i32 to index
            %get3A_139 = tpu.vector_load %arg4[%get3A_137, %get3A_138] {strides = array<i32>} : memref<16x1024xf32, #tpu.memory_space<vmem>>, vector<16xf32>,
            %lt3A_140 = arith.cmpf olt, %get3A_139, %min3A_130 : vector<16xf32>
            %min3A_141 = arith.minimumf %get3A_139, %min3A_130 : vector<16xf32>
            %broadcast_in_dim3A_142 = vector.broadcast %scan3A_134 : i32 to vector<16xi32>
            %select_n3A_143 = arith.select %lt3A_140, %broadcast_in_dim3A_142, %select_n3A_132 : vector<16xi1>, vector<16xi32>
            %scan3A_144 = arith.constant 3 : i32
            %scan3A_145 = arith.addi %scan3A_112, %scan3A_144 : i32
            %mul3A_146 = arith.constant 16 : i32
            %mul3A_147 = arith.muli %scan3A_145, %mul3A_146 : i32
            %get3A_148 = arith.index_cast %scan3A_23 : i32 to index
            %get3A_149 = arith.index_cast %mul3A_147 : i32 to index
            %get3A_150 = tpu.vector_load %arg4[%get3A_148, %get3A_149] {strides = array<i32>} : memref<16x1024xf32, #tpu.memory_space<vmem>>, vector<16xf32>,
            %lt3A_151 = arith.cmpf olt, %get3A_150, %min3A_141 : vector<16xf32>
            %min3A_152 = arith.minimumf %get3A_150, %min3A_141 : vector<16xf32>
            %broadcast_in_dim3A_153 = vector.broadcast %scan3A_145 : i32 to vector<16xi32>
            %select_n3A_154 = arith.select %lt3A_151, %broadcast_in_dim3A_153, %select_n3A_143 : vector<16xi1>, vector<16xi32>
            %scan3A_155 = arith.constant 4 : i32
            %scan3A_156 = arith.addi %scan3A_112, %scan3A_155 : i32
            %mul3A_157 = arith.constant 16 : i32
            %mul3A_158 = arith.muli %scan3A_156, %mul3A_157 : i32
            %get3A_159 = arith.index_cast %scan3A_23 : i32 to index
            %get3A_160 = arith.index_cast %mul3A_158 : i32 to index
            %get3A_161 = tpu.vector_load %arg4[%get3A_159, %get3A_160] {strides = array<i32>} : memref<16x1024xf32, #tpu.memory_space<vmem>>, vector<16xf32>,
            %lt3A_162 = arith.cmpf olt, %get3A_161, %min3A_152 : vector<16xf32>
            %min3A_163 = arith.minimumf %get3A_161, %min3A_152 : vector<16xf32>
            %broadcast_in_dim3A_164 = vector.broadcast %scan3A_156 : i32 to vector<16xi32>
            %select_n3A_165 = arith.select %lt3A_162, %broadcast_in_dim3A_164, %select_n3A_154 : vector<16xi1>, vector<16xi32>
            %scan3A_166 = arith.constant 5 : i32
            %scan3A_167 = arith.addi %scan3A_112, %scan3A_166 : i32
            %mul3A_168 = arith.constant 16 : i32
            %mul3A_169 = arith.muli %scan3A_167, %mul3A_168 : i32
            %get3A_170 = arith.index_cast %scan3A_23 : i32 to index
            %get3A_171 = arith.index_cast %mul3A_169 : i32 to index
            %get3A_172 = tpu.vector_load %arg4[%get3A_170, %get3A_171] {strides = array<i32>} : memref<16x1024xf32, #tpu.memory_space<vmem>>, vector<16xf32>,
            %lt3A_173 = arith.cmpf olt, %get3A_172, %min3A_163 : vector<16xf32>
            %min3A_174 = arith.minimumf %get3A_172, %min3A_163 : vector<16xf32>
            %broadcast_in_dim3A_175 = vector.broadcast %scan3A_167 : i32 to vector<16xi32>
            %select_n3A_176 = arith.select %lt3A_173, %broadcast_in_dim3A_175, %select_n3A_165 : vector<16xi1>, vector<16xi32>
            %scan3A_177 = arith.constant 6 : i32
            %scan3A_178 = arith.addi %scan3A_112, %scan3A_177 : i32
            %mul3A_179 = arith.constant 16 : i32
            %mul3A_180 = arith.muli %scan3A_178, %mul3A_179 : i32
            %get3A_181 = arith.index_cast %scan3A_23 : i32 to index
            %get3A_182 = arith.index_cast %mul3A_180 : i32 to index
            %get3A_183 = tpu.vector_load %arg4[%get3A_181, %get3A_182] {strides = array<i32>} : memref<16x1024xf32, #tpu.memory_space<vmem>>, vector<16xf32>,
            %lt3A_184 = arith.cmpf olt, %get3A_183, %min3A_174 : vector<16xf32>
            %min3A_185 = arith.minimumf %get3A_183, %min3A_174 : vector<16xf32>
            %broadcast_in_dim3A_186 = vector.broadcast %scan3A_178 : i32 to vector<16xi32>
            %select_n3A_187 = arith.select %lt3A_184, %broadcast_in_dim3A_186, %select_n3A_176 : vector<16xi1>, vector<16xi32>
            %scan3A_188 = arith.constant 7 : i32
            %scan3A_189 = arith.addi %scan3A_112, %scan3A_188 : i32
            %mul3A_190 = arith.constant 16 : i32
            %mul3A_191 = arith.muli %scan3A_189, %mul3A_190 : i32
            %get3A_192 = arith.index_cast %scan3A_23 : i32 to index
            %get3A_193 = arith.index_cast %mul3A_191 : i32 to index
            %get3A_194 = tpu.vector_load %arg4[%get3A_192, %get3A_193] {strides = array<i32>} : memref<16x1024xf32, #tpu.memory_space<vmem>>, vector<16xf32>,
            %lt3A_195 = arith.cmpf olt, %get3A_194, %min3A_185 : vector<16xf32>
            %min3A_196 = arith.minimumf %get3A_194, %min3A_185 : vector<16xf32>
            %broadcast_in_dim3A_197 = vector.broadcast %scan3A_189 : i32 to vector<16xi32>
            %select_n3A_198 = arith.select %lt3A_195, %broadcast_in_dim3A_197, %select_n3A_187 : vector<16xi1>, vector<16xi32>
            scf.yield %min3A_196, %select_n3A_198 : vector<16xf32>, vector<16xi32>
          }
          %scan3A_45 = arith.constant 64 : i32
          %mul3A_46 = arith.constant 16 : i32
          %mul3A_47 = vector.broadcast %mul3A_46 : i32 to vector<16xi32>
          %mul3A_48 = arith.muli %scan3A_44#1, %mul3A_47 : vector<16xi32>
          %add3A_49 = arith.addi %mul3A_48, %iota3A : vector<16xi32>
          %masked_sort3A = arith.constant dense<true> : vector<16xi1>
          %masked_sort3A_50, %masked_sort3A_51, %masked_sort3A_52 = tpu.sort %scan3A_44#0, %add3A_49 masked %masked_sort3A : (vector<16xf32>, vector<16xi32>, vector<16xi1>) -> (vector<16xi1>, vector<16xf32>, vector<16xi32>)
          %slice3A = vector.extract_strided_slice %masked_sort3A_51 {offsets = [0], sizes = [1], strides = [1]} : vector<16xf32> to vector<1xf32>
          %squeeze3A = vector.extract %slice3A[0] : f32 from vector<1xf32>
          %broadcast_in_dim3A_53 = vector.broadcast %squeeze3A : f32 to vector<16xf32>
          %eq3A = arith.cmpf oeq, %scan3A_44#0, %broadcast_in_dim3A_53 : vector<16xf32>
          %jit3A = arith.constant 1073741824 : i32
          %broadcast_in_dim3A_54 = vector.broadcast %jit3A : i32 to vector<16xi32>
          %select_n3A = arith.select %eq3A, %add3A_49, %broadcast_in_dim3A_54 : vector<16xi1>, vector<16xi32>
          %masked_sort3A_55 = arith.constant dense<true> : vector<16xi1>
          %masked_sort3A_56 = arith.constant -2147483648 : i32
          %masked_sort3A_57 = vector.broadcast %masked_sort3A_56 : i32 to vector<16xi32>
          %masked_sort3A_58 = arith.xori %select_n3A, %masked_sort3A_57 : vector<16xi32>
          %masked_sort3A_59, %masked_sort3A_60, %masked_sort3A_61 = tpu.sort %masked_sort3A_58, %select_n3A masked %masked_sort3A_55 : (vector<16xi32>, vector<16xi32>, vector<16xi1>) -> (vector<16xi1>, vector<16xi32>, vector<16xi32>)
          %masked_sort3A_62 = arith.xori %masked_sort3A_60, %masked_sort3A_57 : vector<16xi32>
          %slice3A_63 = vector.extract_strided_slice %masked_sort3A_62 {offsets = [0], sizes = [1], strides = [1]} : vector<16xi32> to vector<1xi32>
          %squeeze3A_64 = vector.extract %slice3A_63[0] : i32 from vector<1xi32>
          %eq3A_65 = vector.broadcast %scan3A_36 : i32 to vector<16xi32>
          %eq3A_66 = arith.cmpi eq, %iota3A, %eq3A_65 : vector<16xi32>
          %broadcast_in_dim3A_67 = vector.broadcast %squeeze3A_64 : i32 to vector<16xi32>
          %select_n3A_68 = arith.select %eq3A_66, %broadcast_in_dim3A_67, %scan3A_37 : vector<16xi1>, vector<16xi32>
          %eq3A_69 = arith.constant 0 : i32
          %eq3A_70 = arith.cmpi eq, %scan3A_36, %eq3A_69 : i32
          %jit3A_71 = arith.constant 8 : i32
          %jit3A_72 = arith.constant 1048576 : i32
          %select_n3A_73 = arith.select %eq3A_70, %jit3A_71, %jit3A_72 : i32
          %eq3A_74 = vector.broadcast %select_n3A_73 : i32 to vector<16xi32>
          %eq3A_75 = arith.cmpi eq, %iota3A, %eq3A_74 : vector<16xi32>
          %bitcast_convert_type3A = tpu.bitcast %broadcast_in_dim3A_53 : vector<16xf32> -> vector<16xi32>
          %select_n3A_76 = arith.select %eq3A_75, %bitcast_convert_type3A, %select_n3A_68 : vector<16xi1>, vector<16xi32>
          %jit3A_77 = arith.constant 16 : i32
          %div3A = arith.divsi %squeeze3A_64, %jit3A_77 : i32
          %sign3A = arith.constant 0 : i32
          %sign3A_78 = arith.cmpi sgt, %squeeze3A_64, %sign3A : i32
          %sign3A_79 = arith.extui %sign3A_78 : i1 to i32
          %sign3A_80 = arith.constant 0 : i32
          %sign3A_81 = arith.cmpi slt, %squeeze3A_64, %sign3A_80 : i32
          %sign3A_82 = arith.extui %sign3A_81 : i1 to i32
          %sign3A_83 = arith.subi %sign3A_79, %sign3A_82 : i32
          %sign3A_84 = arith.constant 0 : i32
          %sign3A_85 = arith.cmpi sgt, %jit3A_77, %sign3A_84 : i32
          %sign3A_86 = arith.extui %sign3A_85 : i1 to i32
          %sign3A_87 = arith.constant 0 : i32
          %sign3A_88 = arith.cmpi slt, %jit3A_77, %sign3A_87 : i32
          %sign3A_89 = arith.extui %sign3A_88 : i1 to i32
          %sign3A_90 = arith.subi %sign3A_86, %sign3A_89 : i32
          %ne3A = arith.cmpi ne, %sign3A_83, %sign3A_90 : i32
          %rem3A = arith.remsi %squeeze3A_64, %jit3A_77 : i32
          %ne3A_91 = arith.constant 0 : i32
          %ne3A_92 = arith.cmpi ne, %rem3A, %ne3A_91 : i32
          %and3A = arith.andi %ne3A, %ne3A_92 : i1
          %sub3A = arith.constant 1 : i32
          %sub3A_93 = arith.subi %div3A, %sub3A : i32
          %select_n3A_94 = arith.select %and3A, %sub3A_93, %div3A : i32
          %mul3A_95 = arith.constant 16 : i32
          %mul3A_96 = arith.muli %select_n3A_94, %mul3A_95 : i32
          %sub3A_97 = arith.subi %squeeze3A_64, %mul3A_96 : i32
          %mul3A_98 = arith.constant 16 : i32
          %mul3A_99 = arith.muli %select_n3A_94, %mul3A_98 : i32
          %get3A = arith.index_cast %scan3A_23 : i32 to index
          %get3A_100 = arith.index_cast %mul3A_99 : i32 to index
          %get3A_101 = tpu.vector_load %arg4[%get3A, %get3A_100] {strides = array<i32>} : memref<16x1024xf32, #tpu.memory_space<vmem>>, vector<16xf32>,
          %eq3A_102 = vector.broadcast %sub3A_97 : i32 to vector<16xi32>
          %eq3A_103 = arith.cmpi eq, %iota3A, %eq3A_102 : vector<16xi32>
          %jit3A_104 = arith.constant 0x7F800000 : f32
          %broadcast_in_dim3A_105 = vector.broadcast %jit3A_104 : f32 to vector<16xf32>
          %select_n3A_106 = arith.select %eq3A_103, %broadcast_in_dim3A_105, %get3A_101 : vector<16xi1>, vector<16xf32>
          %mul3A_107 = arith.constant 16 : i32
          %mul3A_108 = arith.muli %select_n3A_94, %mul3A_107 : i32
          %swap3A_109 = arith.index_cast %scan3A_23 : i32 to index
          %swap3A_110 = arith.index_cast %mul3A_108 : i32 to index
          %swap3A_111 = tpu.vector_load %arg4[%swap3A_109, %swap3A_110] {strides = array<i32>} : memref<16x1024xf32, #tpu.memory_space<vmem>>, vector<16xf32>,
          tpu.vector_store %arg4[%swap3A_109, %swap3A_110], %select_n3A_106 {strides = array<i32>} : memref<16x1024xf32, #tpu.memory_space<vmem>>, vector<16xf32>,
          scf.yield %select_n3A_76 : vector<16xi32>
        }
        %scan3A_32 = arith.constant 8 : i32
        %swap3A = arith.index_cast %scan3A_23 : i32 to index
        %swap3A_33 = arith.constant 0 : index
        %swap3A_34 = tpu.vector_load %arg5[%swap3A, %swap3A_33] {strides = array<i32>} : memref<16x16xi32, #tpu.memory_space<vmem>>, vector<16xi32>,
        tpu.vector_store %arg5[%swap3A, %swap3A_33], %scan3A_31 {strides = array<i32>} : memref<16x16xi32, #tpu.memory_space<vmem>>, vector<16xi32>,
        %scan3A_35 = arith.constant 0 : i32
        scf.yield %scan3A_35 : i32
      }
      %scan3A_21 = arith.constant 16 : i32
      "tpu.region"() ({
        %run_scoped3A = tpu.sem_alloc : memref<!tpu.dma_semaphore, #tpu.memory_space<semaphore_mem>>
        %dma_start3A = arith.constant 0 : i32
        %dma_start3A_23 = tpu.memref_slice %arg3[%add3A_14, %dma_start3A] : memref<16384x16xi32, #tpu.memory_space<hbm>> -> memref<16x16xi32, #tpu.memory_space<hbm>>
        %dma_start3A_24 = arith.constant 0 : i32
        %dma_start3A_25 = tpu.memref_slice %arg3[%add3A_14, %dma_start3A_24] : memref<16384x16xi32, #tpu.memory_space<hbm>> -> memref<16x16xi32, #tpu.memory_space<hbm>>
        tpu.enqueue_dma source(%arg5 : memref<16x16xi32, #tpu.memory_space<vmem>>) target(%dma_start3A_25 : memref<16x16xi32, #tpu.memory_space<hbm>>) target_semaphore(%run_scoped3A : memref<!tpu.dma_semaphore, #tpu.memory_space<semaphore_mem>>)
        %dma_wait3A = arith.constant 0 : i32
        %dma_wait3A_26 = tpu.memref_slice %arg3[%add3A_14, %dma_wait3A] : memref<16384x16xi32, #tpu.memory_space<hbm>> -> memref<16x16xi32, #tpu.memory_space<hbm>>
        %dma_wait3A_27 = arith.constant 0 : i32
        %dma_wait3A_28 = tpu.memref_slice %arg3[%add3A_14, %dma_wait3A_27] : memref<16384x16xi32, #tpu.memory_space<hbm>> -> memref<16x16xi32, #tpu.memory_space<hbm>>
        tpu.wait_dma2 semaphore(%run_scoped3A : memref<!tpu.dma_semaphore, #tpu.memory_space<semaphore_mem>>) src(%arg5 : memref<16x16xi32, #tpu.memory_space<vmem>>) dst(%dma_wait3A_28 : memref<16x16xi32, #tpu.memory_space<hbm>>)
        tpu.yield
      }) : () -> ()
      %scan3A_22 = arith.constant 0 : i32
      scf.yield %scan3A_22 : i32
    }
    %scan3A_7 = arith.constant 32 : i32
    return
  }
}

module attributes {stable_mosaic.version = 14 : i64} {
  func.func @_dists_body(%arg0: i32, %arg1: memref<512x256xf32, #tpu.memory_space<vmem>>, %arg2: memref<512x1xf32, #tpu.memory_space<vmem>>, %arg3: memref<256x1024xf32, #tpu.memory_space<vmem>>, %arg4: memref<1x1024xf32, #tpu.memory_space<vmem>>, %arg5: memref<512x1024xf32, #tpu.memory_space<vmem>>) attributes {dimension_semantics = [#tpu.dimension_semantics<arbitrary>], iteration_bounds = array<i64: 32>, scalar_prefetch = 0 : i64, scratch_operands = 0 : i64, tpu.core_type = #tpu.core_type<tc>, window_params = [{transform_indices = @transform_0, window_bounds = array<i64: 512, 256>}, {transform_indices = @transform_1, window_bounds = array<i64: 512, 1>}, {pipeline_mode = #tpu.pipeline_mode<synchronous>, transform_indices = @transform_2, window_bounds = array<i64: 256, 1024>}, {pipeline_mode = #tpu.pipeline_mode<synchronous>, transform_indices = @transform_3, window_bounds = array<i64: 1, 1024>}, {transform_indices = @transform_4, window_bounds = array<i64: 512, 1024>}]} {
    %get3A = arith.constant 0 : index
    %get3A_0 = arith.constant 0 : index
    %get3A_1 = vector.load %arg1[%get3A, %get3A_0] : memref<512x256xf32, #tpu.memory_space<vmem>>, vector<512x256xf32>
    %get3A_2 = arith.constant 0 : index
    %get3A_3 = arith.constant 0 : index
    %get3A_4 = vector.load %arg3[%get3A_2, %get3A_3] : memref<256x1024xf32, #tpu.memory_space<vmem>>, vector<256x1024xf32>
    %dot_general3A = arith.constant dense<0.000000e+00> : vector<512x1024xf32>
    %dot_general3A_5 = tpu.matmul %get3A_1, %get3A_4, %dot_general3A {dimension_numbers = #tpu.dot_dimension_numbers<[1], [0], [0], [1], [0, 0, 1, 1], [], []>, transpose_lhs_hint = false} : vector<512x256xf32>, vector<256x1024xf32>, vector<512x1024xf32> -> vector<512x1024xf32>
    %get3A_6 = arith.constant 0 : index
    %get3A_7 = arith.constant 0 : index
    %get3A_8 = vector.load %arg2[%get3A_6, %get3A_7] : memref<512x1xf32, #tpu.memory_space<vmem>>, vector<512x1xf32>
    %get3A_9 = arith.constant 0 : index
    %get3A_10 = arith.constant 0 : index
    %get3A_11 = vector.load %arg4[%get3A_9, %get3A_10] : memref<1x1024xf32, #tpu.memory_space<vmem>>, vector<1x1024xf32>
    %add3A = vector.broadcast %get3A_8 : vector<512x1xf32> to vector<512x1024xf32>
    %add3A_12 = vector.broadcast %get3A_11 : vector<1x1024xf32> to vector<512x1024xf32>
    %add3A_13 = arith.addf %add3A, %add3A_12 : vector<512x1024xf32>
    %mul3A = arith.constant 2.000000e+00 : f32
    %mul3A_14 = vector.broadcast %mul3A : f32 to vector<512x1024xf32>
    %mul3A_15 = arith.mulf %mul3A_14, %dot_general3A_5 : vector<512x1024xf32>
    %sub3A = arith.subf %add3A_13, %mul3A_15 : vector<512x1024xf32>
    %swap3A = arith.constant 0 : index
    %swap3A_16 = arith.constant 0 : index
    %swap3A_17 = vector.load %arg5[%swap3A, %swap3A_16] : memref<512x1024xf32, #tpu.memory_space<vmem>>, vector<512x1024xf32>
    tpu.vector_store %arg5[%swap3A, %swap3A_16], %sub3A {strides = array<i32>} : memref<512x1024xf32, #tpu.memory_space<vmem>>, vector<512x1024xf32>,
    return
  }
  func.func @transform_0(%arg0: i32) -> (i32, i32) {
    %c0_i32 = arith.constant 0 : i32
    %c0_i32_0 = arith.constant 0 : i32
    return %arg0, %c0_i32 : i32, i32
  }
  func.func @transform_1(%arg0: i32) -> (i32, i32) {
    %c0_i32 = arith.constant 0 : i32
    %c0_i32_0 = arith.constant 0 : i32
    return %arg0, %c0_i32 : i32, i32
  }
  func.func @transform_2(%arg0: i32) -> (i32, i32) {
    %c0_i32 = arith.constant 0 : i32
    %c0_i32_0 = arith.constant 0 : i32
    %c0_i32_1 = arith.constant 0 : i32
    return %c0_i32, %c0_i32_0 : i32, i32
  }
  func.func @transform_3(%arg0: i32) -> (i32, i32) {
    %c0_i32 = arith.constant 0 : i32
    %c0_i32_0 = arith.constant 0 : i32
    %c0_i32_1 = arith.constant 0 : i32
    return %c0_i32, %c0_i32_0 : i32, i32
  }
  func.func @transform_4(%arg0: i32) -> (i32, i32) {
    %c0_i32 = arith.constant 0 : i32
    %c0_i32_0 = arith.constant 0 : i32
    return %arg0, %c0_i32 : i32, i32
  }
}

</mosaic_0001>

<sc_bundles>
// kernel: kernel.4.cloned.1.call-start
scs
__scs_entry_jumppad:
0x0: {  	(pc) =	sbr.rel $0x88, $3  }
0x1: {  	(tag) =	ssettag $0x0;
	lr =	simm.s32 $0x1  }
0x2: {  	[smem:$0x3F9E] =	sst lr;
	_ =	strace $0xD0000000  }
0x3: {  	_ = 	snop  }
0x4: {  	_ = 	snop  }
0x5: {  	_ = 	snop  }
0x6: {  	_ = 	snop  }
0x7: {  	_ = 	snop  }
__scs_overlays_trampoline_lowered:
0x8: {  	[smem:$0x3FAD] =	sst s0  }
0x9: {  	[smem:$0x3FAE] =	sst s1  }
0xa: {  	[smem:$0x3FAF] =	sst s2  }
0xb: {  	[smem:$0x3FB0] =	sst s3  }
0xc: {  	[smem:$0x3FB1] =	sst s4  }
0xd: {  	[smem:$0x3FB2] =	sst s5  }
0xe: {  	[smem:$0x3FB3] =	sst s6  }
0xf: {  	[smem:$0x3FB4] =	sst s7  }
0x10: {  	[smem:$0x3FB5] =	sst s8  }
0x11: {  	[smem:$0x3FB6] =	sst s9;
	s0 =	simm.s32 @!p0 $0x0  }
0x12: {  	s1 =	sld [smem:$0x3F9C];
	s0 =	simm.s32 @p0 $0x1  }
0x13: {  	[smem:$0x3FB7] =	sst s0;
	s0 =	simm.s32 @!p1 $0x0  }
0x14: {  	s2 =	sld [smem:$0x3F9B];
	s0 =	simm.s32 @p1 $0x1  }
0x15: {  	[smem:$0x3FB8] =	sst s0;
	s0 =	simm.s32 @!p2 $0x0  }
0x16: {  	s3 =	sld [smem:$0x3FDB];
	s0 =	simm.s32 @p2 $0x1  }
0x17: {  	s4 =	simm.s32 $0x1BF5;
	[smem:$0x3FBA] =	sst s0  }
0x18: {  	s0 =	sld [smem:$0x3F9D];
	_ =	swait.ge [sflag:s4], $0x0  }
0x19: {  	s7 =	sld [smem:$0x3F9E]  }
0x1a: {  	s8 =	sadd.s32 $0xFFFFE003, lr  }
0x1b: {  	s9 =	sadd.s32 $0xFFFFFEF7, lr;
	s5 =	simm.s32 $0xFFFFFFFF;
	p2 =	slt.u32 s8, $0xFFFFF086  }
0x1c: {  	p1 =	slt.u32 s9, $0xF7A;
	s5 =	simm.s32 @!p2 $0x0  }
0x1d: {  	s5 =	simm.s32 @p1 $0x1;
	p0 =	seq.s32 s7, s2  }
0x1e: {  	s7 =	smul.u32 @!p0 $0xF7A, s2;
	p2 =	seq.s32 @!p0 s5, $0x0  }
0x1f: {  	s9 =	smul.u32 $0xF7A, s1;
	s8 =	simm.s32 @!p0 $0x1BF5;
	p2 =	por !p2, p0  }
0x20: {  	[sflag:s8] =	ssyncset.s32 @!p0 $0xFFFFF086;
	s6 =	sadd.s32 @!p0 s3, s7;
	s7 =	simm.s32 @!p0 $0x108  }
0x21: {  	s3 =	sadd.s32 s3, s9;
	s6 =	sadd.s32 @!p0 $0x88, s6;
	s7 =	simm.s32 @p2 $0x1082  }
0x22: {  	[simem:s7], [sflag:s8] =	dma.local @!p0 [hbm:s6], $0xF7A  }
0x23: {  	s9 =	sor.u32 $0xD0000000, s2;
	s6 =	simm.s32 $0x108;
	_ =	swait.ge @!p0 [sflag:s8], $0x0  }
0x24: {  	s3 =	sadd.s32 $0x88, s3;
	s6 =	simm.s32 @!p1 $0x1082;
	[sflag:s4] =	ssyncset.s32 $0xFFFFF086  }
0x25: {  	[simem:s6], [sflag:s4] =	dma.local [hbm:s3], $0xF7A  }
0x26: {  	[smem:$0x3F9E] =	sst s1;
	(tag) =	ssettag s2;
	_ =	strace s9  }
0x27: {  	s1 =	sld [smem:$0x3FAE]  }
0x28: {  	s2 =	sld [smem:$0x3FAF]  }
0x29: {  	s4 =	sld [smem:$0x3FB1]  }
0x2a: {  	p0 =	seq.s32 s5, $0x0;
	s5 =	sld [smem:$0x3FB2]  }
0x2b: {  	s6 =	sld [smem:$0x3FB3]  }
0x2c: {  	s7 =	sld [smem:$0x3FB4]  }
0x2d: {  	s3 =	simm.s32 $0x108;
	s8 =	sld [smem:$0x3FB5]  }
0x2e: {  	s3 =	simm.s32 @!p0 $0x1082;
	s9 =	sld [smem:$0x3FB6]  }
0x2f: {  	lr =	sadd.s32 s0, s3;
	s0 =	sld [smem:$0x3FAD]  }
0x30: {  	s3 =	sld [smem:$0x3FB0]  }
0x31: {  	[smem:$0x3FB9] =	sst s10  }
0x32: {  	s10 =	sld [smem:$0x3FB7];
	_ =	sdelay $0x3  }
0x33: {  	p0 =	seq.s32 s10, $0x1;
	s10 =	sld [smem:$0x3FB9];
	_ =	sdelay $0x3  }
0x34: {  	[smem:$0x3FB9] =	sst s10  }
0x35: {  	s10 =	sld [smem:$0x3FB8];
	_ =	sdelay $0x3  }
0x36: {  	p1 =	seq.s32 s10, $0x1;
	s10 =	sld [smem:$0x3FB9];
	_ =	sdelay $0x3  }
0x37: {  	[smem:$0x3FB9] =	sst s10  }
0x38: {  	s10 =	sld [smem:$0x3FBA]  }
0x39: {  	_ = 	snop;
	(pc) =	sbr.ind lr, $3  }
0x3a: {  	_ = 	snop  }
0x3b: {  	_ = 	snop  }
0x3c: {  	p2 =	seq.s32 s10, $0x1;
	s10 =	sld [smem:$0x3FB9]  }
0x3d: {  	_ =	shalt  }
0x3e: {  	_ =	shalt  }
0x3f: {  	_ =	shalt  }
0x40: {  	_ =	shalt  }
0x41: {  	_ =	shalt  }
0x42: {  	_ =	shalt  }
0x43: {  	_ =	shalt  }
0x44: {  	_ =	shalt  }
0x45: {  	_ =	shalt  }
0x46: {  	_ =	shalt  }
0x47: {  	_ =	shalt  }
0x48: {  	_ =	shalt  }
0x49: {  	_ =	shalt  }
0x4a: {  	_ =	shalt  }
0x4b: {  	_ =	shalt  }
0x4c: {  	_ =	shalt  }
0x4d: {  	_ =	shalt  }
0x4e: {  	_ =	shalt  }
0x4f: {  	_ =	shalt  }
0x50: {  	_ =	shalt  }
0x51: {  	_ =	shalt  }
0x52: {  	_ =	shalt  }
0x53: {  	_ =	shalt  }
0x54: {  	_ =	shalt  }
0x55: {  	_ =	shalt  }
0x56: {  	_ =	shalt  }
0x57: {  	_ =	shalt  }
0x58: {  	_ =	shalt  }
0x59: {  	_ =	shalt  }
0x5a: {  	_ =	shalt  }
0x5b: {  	_ =	shalt  }
0x5c: {  	_ =	shalt  }
0x5d: {  	_ =	shalt  }
0x5e: {  	_ =	shalt  }
0x5f: {  	_ =	shalt  }
0x60: {  	_ =	shalt  }
0x61: {  	_ =	shalt  }
0x62: {  	_ =	shalt  }
0x63: {  	_ =	shalt  }
0x64: {  	_ =	shalt  }
0x65: {  	_ =	shalt  }
0x66: {  	_ =	shalt  }
0x67: {  	_ =	shalt  }
0x68: {  	_ =	shalt  }
0x69: {  	_ =	shalt  }
0x6a: {  	_ =	shalt  }
0x6b: {  	_ =	shalt  }
0x6c: {  	_ =	shalt  }
0x6d: {  	_ =	shalt  }
0x6e: {  	_ =	shalt  }
0x6f: {  	_ =	shalt  }
0x70: {  	_ =	shalt  }
0x71: {  	_ =	shalt  }
0x72: {  	_ =	shalt  }
0x73: {  	_ =	shalt  }
0x74: {  	_ =	shalt  }
0x75: {  	_ =	shalt  }
0x76: {  	_ =	shalt  }
0x77: {  	_ =	shalt  }
0x78: {  	_ =	shalt  }
0x79: {  	_ =	shalt  }
0x7a: {  	_ =	shalt  }
0x7b: {  	_ =	shalt  }
0x7c: {  	_ =	shalt  }
0x7d: {  	_ =	shalt  }
0x7e: {  	_ =	shalt  }
0x7f: {  	_ =	shalt  }
0x80: {  	_ =	shalt  }
0x81: {  	_ =	shalt  }
0x82: {  	_ =	shalt  }
0x83: {  	_ =	shalt  }
0x84: {  	_ =	shalt  }
0x85: {  	_ =	shalt  }
0x86: {  	_ =	shalt  }
0x87: {  	_ =	shalt  }
.Lfunc_end0:
.L_simem_size_0:
called_computation_lowered:
.L_overlay_start_0:
0x88: {  	s2 =	sld [smem:$0x3FD9]  }
0x89: {  	s3 =	sld [smem:$0x3FFE];
	_ =	sdelay $0x1  }
0x8a: {  	s1 =	srdreg.scid  }
0x8b: {  	s0 =	sand.u32 $0x1, s1  }
0x8c: {  	s16 =	sshll.u32 s0, $0xA;
	s2 =	sadd.s32 s3, s2  }
0x8d: {  	s2 =	sadd.s32 s2, s16  }
0x8e: {  	[smem:$0x3FC5] =	sst s2  }
0x8f: {  	_ = 	snop  }
0x90: {  	(tm) =	ssettm $0x1  }
0x91: {  	s17 =	sld [smem:$0x3FFB];
	_ =	sdelay $0x3  }
0x92: {  	_ =	strace s17  }
0x93: {  	s2 =	sld [smem:$0x3FFC];
	_ =	sdelay $0x3  }
0x94: {  	_ =	strace s2  }
0x95: {  	s2 =	sld [smem:$0x3FFD];
	_ =	sdelay $0x3  }
0x96: {  	_ =	strace s2  }
0x97: {  	_ =	strace $0x8FFFFFFF  }
0x98: {  	s18 =	sld [smem:$0x3FDB];
	_ =	sdelay $0x1  }
0x99: {  	s19 =	simm.s32 $_scs_section_size  }
0x9a: {  	s4 =	simm.s32 $_size__tile_overlayer_lowered;
	s5 =	simm.s32 $_tile_overlayer_lowered  }
0x9b: {  	s22 =	simm.s32 $0x1BFF;
	s21 =	sshll.u32 s5, $0x1;
	s2 =	sadd.s32 s19, s18  }
0x9c: {  	s6 =	simm.s32 $0x0;
	s20 =	sshll.u32 s4, $0x1;
	s4 =	sadd.s32 s21, s2  }
0x9d: {  	[timem:s6], [sflag:s22] =	dma.local [hbm:s4], s20  }
0x9e: {  	_ =	swait.ge [sflag:s22], s20  }
0x9f: {  	s3 =	ssub.s32 $0x0, s20;
	[sflag:s22] =	ssyncset.done $0x0  }
0xa0: {  	[sflag:s22] =	ssyncadd.s32 s3;
	_ =	sdelay $0x1  }
0xa1: {  	s23 =	simm.s32 $0x1B8B  }
0xa2: {  	_ =	swait.ge [sflag:s23], $0x1  }
0xa3: {  	[sflag:s23] =	ssyncset.done $0x0  }
0xa4: {  	s25 =	simm.s32 $0x1B8E;
	s24 =	sld [smem:$0x3FFE];
	[sflag:s23] =	ssyncadd.s32 $0xFFFFFFFF  }
0xa5: {  	s26 =	simm.s32 $execute0_lowered;
	[smem:$0x3FD2] =	sst s25  }
0xa6: {  	s4 =	sshll.u32 s26, $0x1;
	_ =	strace $0x80000046;
	[dreg:$0x1] =	wrdreg $0xFFFFFFFF  }
0xa7: {  	s28 =	simm.s32 $_size_execute0_lowered;
	s2 =	sadd.s32 s2, s4;
	[dreg:$0x0] =	wrdreg $0x0  }
0xa8: {  	s4 =	sshll.u32 s28, $0x1;
	[dreg:$0x2] =	wrdreg s2  }
0xa9: {  	[dreg:$0x3] =	wrdreg s4  }
0xaa: {  	[dreg:$0x4] =	wrdreg $0xC0  }
0xab: {  	_ =	task [dreg:s6], $0x5FFFF  }
0xac: {  	[dreg:$0x1] =	wrdreg $0xFFFFFFFF  }
0xad: {  	[dreg:$0x0] =	wrdreg $0x60  }
0xae: {  	[dreg:$0x2] =	wrdreg s24  }
0xaf: {  	[dreg:$0x3] =	wrdreg $0x9  }
0xb0: {  	_ =	task.clear_ibuf [dreg:s6], $0x4FFFF;
	_ =	strace $0x90000046  }
0xb1: {  	s29 =	simm.s32 $0x9;
	_ =	strace $0x80000048  }
0xb2: {  	_ =	swait.ge [sflag:s29], $0x1  }
0xb3: {  	[sflag:s29] =	ssyncadd.s32 $0xFFFFFFFF  }
0xb4: {  	_ =	strace $0x90000048  }
0xb5: {  	_ =	sfence  }
0xb6: {  	s30 =	sld [smem:$0x0];
	_ =	sdelay $0x2  }
0xb7: {  	s31 =	sshll.u32 s1, $0xD;
	s1 =	sshrl.u32 s1, $0x2  }
0xb8: {  	s3 =	sand.u32 $0x4000, s31;
	s1 =	sadd.s32 s1, s30  }
0xb9: {  	s0 =	sor.u32 s3, s0;
	s1 =	sshll.u32 s1, $0x11  }
0xba: {  	s0 =	sor.u32 s1, s0  }
0xbb: {  	s0 =	sadd.s32 $0x8F2B, s0  }
0xbc: {  	[sflag:s0] =	ssyncadd.remote.s32 $0x1  }
0xbd: {  	_ =	sfence.sel $0xFFFF  }
0xbe: {  	[dreg:$0x0] =	wrdreg $0xFFFFFFFF;
	(pc) =	sbr.abs _section_cstart, $3  }
0xbf: {  	[dreg:$0x1] =	wrdreg $0xFFFFFFFF  }
0xc0: {  	_ =	task.clear_ibuf [dreg:s6], $0x2FFFF;
	_ =	strace $0x9FFFFFFF  }
0xc1: {  	(tm) =	ssettm $0x7FFFFFFF  }
tec
execute0_lowered:
.L_overlay_start_1:
0x0: {  	(tag) =	ssettag $0x1  }
0x1: {  	s1 =	rddreg [dreg:$0x0]  }
0x2: {  	s3 =	srdreg.scid;
	s0 =	rddreg [dreg:$0x1];
	s2 =	simm.s32 $0x0  }
0x3: {  	s8 =	simm.s32 $0x4000;
	s9 =	simm.s32 $0x0;
	s4 =	sand.u32 $0x1, s3  }
0x4: {  	[smem:$0x7FF] =	sst s2;
	s3 =	stileid.u32;
	s5 =	ssub.s32 $0x2, s4  }
0x5: {  	_ =	strace $0x80000047;
	s31 =	sshll.u32 s3, $0xA;
	s6 =	sshrl.u32 s5, $0x1  }
0x6: {  	s7 =	sshll.u32 s4, $0x9;
	s4 =	sadd.s32 $0x80000, s1;
	s6 =	ssub.s32 s5, s6  }
0x7: {  	v0 =	vlaneseq.u32;
	v1 =	vimm.s32 $0x0;
	s5 =	sor.u32 s7, s31;
	s7 =	simm.s32 $0x1;
	s6 =	smax.u32 s6, $0x1  }
.LBB2_1:
0x8: {  	s10 =	simm.s32 $0x0  }
.LBB2_2:
0x9: {  	s11 =	sshll.u32 s10, $0x4  }
0xa: {  	s11 =	sadd.s32 s5, s11  }
0xb: {  	s12 =	sshll.u32 s11, $0x7  }
0xc: {  	s13 =	sadd.s32 s4, s12;
	s12 =	simm.s32 $0x0  }
0xd: {  	[tilespmem:s12], [sflag:$0x1] =	stream.linear.gather [hbm4b:s13+s12], $0x4000, $0x38;
	[tilespmem:$0x4800] =	vst v63  }
0xe: {  	_ =	swait.ge [sflag:s7], $0x4000  }
0xf: {  	[sflag:s7] =	ssyncset.done $0x0  }
0x10: {  	s14 =	simm.s32 $0x0;
	s13 =	simm.s32 $0x0;
	[sflag:s7] =	ssyncadd.s32 $0xFFFFC000  }
.LBB2_3:
0x11: {  	s15 =	sshll.u32 s13, $0x2;
	s16 =	sand.u32 $0x7, s12  }
0x12: {  	s15 =	sand.u32 $0xFFFF8000, s15;
	s16 =	sshll.u32 s16, $0x9  }
0x13: {  	s17 =	sshll.u32 s14, $0xA;
	s16 =	sor.u32 s16, s15;
	s15 =	sshll.u32 s14, $0x7  }
0x14: {  	s17 =	sand.u32 $0x2000, s17;
	s16 =	sshrl.u32 s16, $0x2;
	s18 =	sand.u32 $0x380, s15  }
0x15: {  	v2 =	vimm.s32 $0x0;
	s16 =	sor.u32 $0x40, s16;
	s17 =	sor.u32 s18, s17;
	s18 =	simm.s32 $0x0  }
.LBB2_4:
0x16: {  	v7 =	vld [tilespmem:s16+$0x10]  }
0x17: {  	v4 =	vld [tilespmem:s16+$0xFFFFFFC0]  }
0x18: {  	v5 =	vld [tilespmem:s16+$0xFFFFFFD0]  }
0x19: {  	v6 =	vld [tilespmem:s16+$0xFFFFFFE0]  }
0x1a: {  	v8 =	vld [tilespmem:s16+$0xFFFFFFF0]  }
0x1b: {  	v9 =	vimm.f32 $+Inf;
	v10 =	vld [tilespmem:s16+$0x0]  }
0x1c: {  	s20 =	simm.s32 $0x0;
	v11 =	vld [tilespmem:s16+$0x20];
	vm0 =	vlt.f32 v4, v9;
	v4 =	vmin.f32 v4, v9  }
0x1d: {  	s19 =	sadd.s32 $0x400, s16;
	s28 =	simm.s32 $0x1;
	v12 =	vld [tilespmem:s16+$0x30];
	v9 =	vsel vm0, s20, v1;
	vm0 =	vlt.f32 v5, v4;
	v4 =	vmin.f32 v5, v4  }
0x1e: {  	s29 =	simm.s32 $0x2;
	v3 =	vld [tilespmem:s19+$0x10];
	v5 =	vsel vm0, s28, v9;
	vm0 =	vlt.f32 v6, v4;
	v6 =	vmin.f32 v6, v4  }
0x1f: {  	s30 =	simm.s32 $0x3;
	v4 =	vld [tilespmem:s19+$0xFFFFFFC0];
	v9 =	vsel vm0, s29, v5;
	vm0 =	vlt.f32 v8, v6;
	v6 =	vmin.f32 v8, v6  }
0x20: {  	s31 =	simm.s32 $0x4;
	v5 =	vld [tilespmem:s19+$0xFFFFFFD0];
	v8 =	vsel vm0, s30, v9;
	vm0 =	vlt.f32 v10, v6;
	v9 =	vmin.f32 v10, v6  }
0x21: {  	s21 =	simm.s32 $0x5;
	v6 =	vld [tilespmem:s19+$0xFFFFFFE0];
	v8 =	vsel vm0, s31, v8;
	vm0 =	vlt.f32 v7, v9;
	v9 =	vmin.f32 v7, v9  }
0x22: {  	s23 =	simm.s32 $0x6;
	s22 =	sadd.s32 $0x400, s19;
	v7 =	vld [tilespmem:s19+$0xFFFFFFF0];
	v10 =	vsel vm0, s21, v8;
	vm0 =	vlt.f32 v11, v9;
	v11 =	vmin.f32 v11, v9  }
0x23: {  	s20 =	simm.s32 $0x8;
	s21 =	simm.s32 $0x10;
	v8 =	vld [tilespmem:s19+$0x0];
	v9 =	vsel vm0, s23, v10;
	vm0 =	vlt.f32 v12, v11;
	v10 =	vmin.f32 v12, v11;
	s23 =	simm.s32 $0x7  }
.LBB2_5:
0x24: {  	v11 =	vld [tilespmem:s22+$0x10];
	p0 =	slt.u32 s21, $0x38;
	vm1 =	vlt.f32 v4, v10;
	v4 =	vmin.f32 v4, v10;
	v9 =	vsel vm0, s23, v9;
	s24 =	smov.u32 s21;
	s21 =	sadd.s32 $0x8, s21  }
0x25: {  	s23 =	sadd.s32 $0x1, s20;
	v9 =	vsel vm1, s20, v9;
	vm0 =	vlt.f32 v5, v4;
	v4 =	vmin.f32 v5, v4;
	v10 =	vld [tilespmem:s19+$0x20]  }
0x26: {  	v5 =	vsel vm0, s23, v9;
	vm0 =	vlt.f32 v6, v4;
	v6 =	vmin.f32 v6, v4;
	s23 =	sadd.s32 $0x2, s20;
	v12 =	vld [tilespmem:s19+$0x30];
	s19 =	smov.u32 s22  }
.Ltmp0:
0x27: {  	v4 =	vld [tilespmem:s22+$0xFFFFFFC0];
	v9 =	vsel vm0, s23, v5;
	vm0 =	vlt.f32 v7, v6;
	v6 =	vmin.f32 v7, v6;
	s23 =	sadd.s32 $0x3, s20;
	(pc) =	sbr.rel @p0 .LBB2_5-.Ltmp0, $4  }
0x28: {  	v5 =	vld [tilespmem:s22+$0xFFFFFFD0];
	v7 =	vsel vm0, s23, v9;
	vm0 =	vlt.f32 v8, v6;
	v8 =	vmin.f32 v8, v6;
	s23 =	sadd.s32 $0x4, s20  }
0x29: {  	v6 =	vld [tilespmem:s22+$0xFFFFFFE0];
	v9 =	vsel vm0, s23, v7;
	vm0 =	vlt.f32 v3, v8;
	v8 =	vmin.f32 v3, v8;
	s23 =	sadd.s32 $0x5, s20;
	v3 =	vmovc v11  }
0x2a: {  	v7 =	vld [tilespmem:s22+$0xFFFFFFF0];
	v9 =	vsel vm0, s23, v9;
	vm0 =	vlt.f32 v10, v8;
	v10 =	vmin.f32 v10, v8;
	s23 =	sadd.s32 $0x6, s20  }
0x2b: {  	s22 =	sadd.s32 $0x400, s22;
	v8 =	vld [tilespmem:s19+$0x0];
	v9 =	vsel vm0, s23, v9;
	vm0 =	vlt.f32 v12, v10;
	v10 =	vmin.f32 v12, v10;
	s23 =	sadd.s32 $0x7, s20;
	s20 =	smov.u32 s24  }
0x2c: {  	vm1 =	vlt.f32 v4, v10;
	v55 =	vmin.f32 v4, v10;
	v9 =	vsel vm0, s23, v9  }
0x2d: {  	s21 =	sadd.s32 $0x1, s20;
	v56 =	vld [tilespmem:s19+$0x20];
	v9 =	vsel vm1, s20, v9;
	vm5 =	vlt.f32 v5, v55;
	v4 =	vmin.f32 v5, v55  }
0x2e: {  	s31 =	sadd.s32 $0x2, s20;
	v57 =	vld [tilespmem:s19+$0x30];
	v9 =	vsel vm5, s21, v9;
	vm6 =	vlt.f32 v6, v4;
	v4 =	vmin.f32 v6, v4  }
0x2f: {  	s22 =	sadd.s32 $0x3, s20;
	v9 =	vsel vm6, s31, v9;
	vm7 =	vlt.f32 v7, v4;
	v4 =	vmin.f32 v7, v4  }
0x30: {  	s23 =	sadd.s32 $0x4, s20;
	v58 =	vsel vm7, s22, v9;
	vm8 =	vlt.f32 v8, v4;
	v4 =	vmin.f32 v8, v4  }
0x31: {  	s24 =	sadd.s32 $0x5, s20;
	v7 =	vsel vm8, s23, v58;
	vm9 =	vlt.f32 v3, v4;
	v3 =	vmin.f32 v3, v4  }
0x32: {  	s25 =	sadd.s32 $0x6, s20;
	v59 =	vsel vm9, s24, v7;
	vm10 =	vlt.f32 v56, v3;
	v3 =	vmin.f32 v56, v3  }
0x33: {  	s26 =	sadd.s32 $0x7, s20;
	v4 =	vsel vm10, s25, v59;
	vm11 =	vlt.f32 v57, v3  }
0x34: {  	v4 =	vsel vm11, s26, v4  }
0x35: {  	v4 =	vshll.u32 v4, $0x4  }
0x36: {  	v3 =	vmin.f32 v57, v3;
	v4 =	vor.u32 v0, v4  }
0x37: {  	(xrf1) =	vsort.ascd.msk.f32 $0xffff, v3, v4;
	_ =	sdelay $0xd  }
0x38: {  	v60, _, _ =	vpop (xrf1)  }
0x39: {  	v5 =	vbroadcast v60, $0x0;
	_ =	sdelay $0x1  }
0x3a: {  	vm12 =	veq.f32 v3, v5  }
0x3b: {  	v3 =	vnsel vm12, $0x40000000, v4  }
0x3c: {  	v4 =	vxor.u32 $0x80000000, v3  }
0x3d: {  	(xrf1) =	vsort.ascd.msk.u32 $0xffff, v4, v3;
	_ =	sdelay $0xd  }
0x3e: {  	v3, _, _ =	vpop (xrf1)  }
0x3f: {  	(v2sf) =	vpush v3, $0x0;
	_ =	sdelay $0xe  }
0x40: {  	s28 =	spop (v2sf)  }
0x41: {  	s29 =	sxor.u32 $0x80000000, s28  }
0x42: {  	p1 =	sgt.s32 s28, $0xFFFFFFFF;
	s19 =	sand.u32 $0xF, s28;
	p0 =	slt.s32 s29, $0x1  }
0x43: {  	s30 =	sshra.s32 s29, $0x1F;
	p6 =	sne.s32 s19, $0x0;
	p0 =	por p1, p0  }
0x44: {  	s31 =	sshrl.u32 s30, $0x1C;
	p0 =	por !p6, !p0  }
0x45: {  	s21 =	simm.s32 $0x1;
	s19 =	sadd.s32 s31, s29;
	p0 =	por !p0, !p0  }
0x46: {  	s19 =	sshra.s32 s19, $0x4;
	s21 =	simm.s32 @!p0 $0x0  }
0x47: {  	s19 =	ssub.s32 s19, s21  }
0x48: {  	s21 =	sshll.u32 s19, $0x7  }
0x49: {  	s19 =	sshll.u32 s19, $0x4;
	s21 =	sand.u32 $0xFFFFFC00, s21  }
0x4a: {  	s22 =	sand.u32 $0x70, s19;
	s21 =	sadd.s32 s21, s17  }
0x4b: {  	s21 =	sadd.s32 s22, s21  }
0x4c: {  	v62 =	vmov s18;
	p0 =	seq.s32 s18, $0x0;
	s18 =	sadd.s32 $0x1, s18;
	s22 =	simm.s32 $0x8;
	v3 =	vld [tilespmem:s21+$0x0]  }
0x4d: {  	s22 =	simm.s32 @!p0 $0x100000;
	p0 =	sne.s32 s18, $0x8  }
.Ltmp1:
0x4e: {  	s19 =	ssub.s32 s29, s19;
	(pc) =	sbr.rel @p0 .LBB2_4-.Ltmp1, $4  }
0x4f: {  	v61 =	vmov s19  }
0x50: {  	vm13 =	veq.s32 v62, v0;
	vm14 =	veq.s32 v61, v0;
	v63 =	vmov s22  }
0x51: {  	v2 =	vsel vm13, s29, v2;
	vm15 =	veq.s32 v63, v0;
	v3 =	vsel vm14, $0x7F800000, v3  }
0x52: {  	v2 =	vsel vm15, v5, v2;
	[tilespmem:s21+$0x0] =	vst v3  }
0x53: {  	s14 =	sadd.s32 $0x1, s14  }
0x54: {  	p0 =	sne.s32 s14, $0x10  }
.Ltmp2:
0x55: {  	_ = 	snop;
	(pc) =	sbr.rel @p0 .LBB2_3-.Ltmp2, $3  }
0x56: {  	_ =	sdelay $0x1  }
0x57: {  	s15 =	sand.u32 $0x3FFFFF80, s15  }
0x58: {  	s13 =	sadd.s32 $0x400, s13;
	s12 =	sadd.s32 $0x1, s12;
	[tilespmem:s15+$0x4000] =	vst v2  }
0x59: {  	s10 =	sadd.s32 $0x1, s10  }
0x5a: {  	s11 =	sshll.u32 s11, $0x4;
	p0 =	sne.s32 s10, $0x20  }
.Ltmp3:
0x5b: {  	s11 =	sadd.s32 s1, s11;
	(pc) =	sbr.rel @p0 .LBB2_2-.Ltmp3, $4  }
0x5c: {  	[hbm4b:s11+s2] =	stream.linear.scatter [tilespmem:s8], [sflag:$0x1], $0x800, $0x38;
	[tilespmem:$0x4800] =	vst v63  }
0x5d: {  	_ =	swait.ge [sflag:s7], $0x800  }
0x5e: {  	[sflag:s7] =	ssyncset.done $0x0  }
0x5f: {  	[sflag:s7] =	ssyncadd.s32 $0xFFFFF800  }
0x60: {  	s9 =	sadd.s32 $0x1, s9  }
0x61: {  	p0 =	sne.s32 s9, s6  }
.Ltmp4:
0x62: {  	_ = 	snop;
	(pc) =	sbr.rel @p0 .LBB2_1-.Ltmp4, $1  }
0x63: {  	_ =	sdelay $0x3  }
0x64: {  	_ =	sfence.sel $0x180000  }
0x65: {  	[bflag:$0x0] =	sbarrier.arrive $0xFFFF  }
0x66: {  	p0 =	sne.s32 s3, $0x0;
	_ =	strace $0x90000047  }
0x67: {  	s0 =	sadd.s32 @!p0 $0x100000, s0;
	[bflag:$0x2] =	sbarrier.arrive $0xFFFF  }
0x68: {  	[sflag:s0] =	ssyncadd.tile.s32 @!p0 $0x1;
	_ =	shalt  }
.Lfunc_end2:
_tile_overlayer_lowered:
.L_overlay_start_2:
0x69: {  	(tag) =	ssettag $0x2  }
0x6a: {  	s0 =	rddreg [dreg:$0x0];
	s2 =	stileid.u32  }
0x6b: {  	s1 =	rddreg [dreg:$0x1];
	p0 =	sne.s32 s2, $0x0  }
0x6c: {  	s3 =	rddreg [dreg:$0x2];
	[bflag:$0x3] =	sbarrier.arrive $0xFFFF;
	s2 =	simm.s32 @!p0 $0x1C01  }
0x6d: {  	[timem:s3], [sflag:s2] =	dma.local @!p0 [hbm:s0], s1  }
0x6e: {  	s0 =	simm.s32 @!p0 $0x1  }
0x6f: {  	_ =	swait.ge @!p0 [sflag:s0], s1  }
0x70: {  	s1 =	ssub.s32 @!p0 $0x0, s1;
	[sflag:s0] =	ssyncset.done @!p0 $0x0  }
0x71: {  	[sflag:s0] =	ssyncadd.s32 @!p0 s1  }
0x72: {  	[bflag:$0x3] =	sbarrier.arrive $0xFFFF  }
0x73: {  	_ =	shalt  }

</sc_bundles>
